<compile_context>
chip_gen: v7x
topology: tpu7x:2x2x1
jax: 0.10.2.dev20260603
libtpu: 0.0.44.dev20260713+nightly
codegen_flags: <defaults>
</compile_context>

<pallas_src>
import functools

import jax
import jax.numpy as jnp
from jax import lax
from jax.experimental import pallas as pl
from jax.experimental.pallas import tpu as pltpu
from jax.experimental.pallas import tpu_sc as plsc

B = 16384
D = 32
NROWS = 1000000

_info = plsc.get_sparse_core_info()
_NC = _info.num_cores
_NS = _info.num_subcores
_NW = _NC * _NS
_BPW = B // _NW
_CH = 128


def _gather_body(u_idx, i_idx, tbl, gu_out, gi_out,
                 uidx_v, iidx_v, r0, r1, s0, s1):
    wid = lax.axis_index("s") * _NC + lax.axis_index("c")
    base = wid * _BPW
    pltpu.sync_copy(u_idx.at[pl.ds(base, _BPW)], uidx_v)
    pltpu.sync_copy(i_idx.at[pl.ds(base, _BPW)], iidx_v)
    for c in range(_BPW // _CH):
        o = c * _CH
        c0 = pltpu.async_copy(tbl.at[uidx_v.at[pl.ds(o, _CH)]], r0, s0)
        c1 = pltpu.async_copy(tbl.at[iidx_v.at[pl.ds(o, _CH)]], r1, s1)
        c0.wait()
        pltpu.sync_copy(r0, gu_out.at[pl.ds(base + o, _CH)])
        c1.wait()
        pltpu.sync_copy(r1, gi_out.at[pl.ds(base + o, _CH)])


_gather = pl.kernel(
    _gather_body,
    out_type=(
        jax.ShapeDtypeStruct((B, 128), jnp.float32),
        jax.ShapeDtypeStruct((B, 128), jnp.float32),
    ),
    mesh=plsc.VectorSubcoreMesh(core_axis_name="c", subcore_axis_name="s"),
    scratch_types=[
        pltpu.VMEM((_BPW,), jnp.int32),
        pltpu.VMEM((_BPW,), jnp.int32),
        pltpu.VMEM((_CH, 128), jnp.float32),
        pltpu.VMEM((_CH, 128), jnp.float32),
        pltpu.SemaphoreType.DMA,
        pltpu.SemaphoreType.DMA,
    ],
)


def _mlp_body(g_u, g_i, W1, b1, W2, b2, Wp, bp,
              out, umf_o, imf_o, umlp_o, imlp_o):
    umf = g_u[:, 0:32]
    umlp = g_u[:, 32:64]
    imf = g_i[:, 64:96]
    imlp = g_i[:, 96:128]
    umf_o[...] = umf
    imf_o[...] = imf
    umlp_o[...] = umlp
    imlp_o[...] = imlp
    mf = umf * imf
    mlp = jnp.concatenate([umlp, imlp], axis=1)
    h = lax.dot_general(mlp, W1[...], (((1,), (1,)), ((), ())),
                        preferred_element_type=jnp.float32) + b1[...]
    h = jnp.maximum(h, 0.0)
    h = lax.dot_general(h, W2[...], (((1,), (1,)), ((), ())),
                        preferred_element_type=jnp.float32) + b2[...]
    h = jnp.maximum(h, 0.0)
    pv = jnp.concatenate([mf, h], axis=1)
    logit = jnp.sum(pv * Wp[...], axis=1) + bp[0, 0]
    out[...] = jax.nn.sigmoid(logit)


_BLK = 2048


def _mlp(g_u, g_i, W1, b1, W2, b2, Wp, bp):
    nb = B // _BLK
    row_spec = pl.BlockSpec((_BLK, 128), lambda i: (i, 0))
    lat_spec = pl.BlockSpec((_BLK, D), lambda i: (i, 0))
    return pl.pallas_call(
        _mlp_body,
        grid=(nb,),
        in_specs=[
            row_spec, row_spec,
            pl.BlockSpec((64, 64), lambda i: (0, 0)),
            pl.BlockSpec((1, 64), lambda i: (0, 0)),
            pl.BlockSpec((32, 64), lambda i: (0, 0)),
            pl.BlockSpec((1, 32), lambda i: (0, 0)),
            pl.BlockSpec((1, 64), lambda i: (0, 0)),
            pl.BlockSpec((1, 1), lambda i: (0, 0)),
        ],
        out_specs=[
            pl.BlockSpec((_BLK,), lambda i: (i,)),
            lat_spec, lat_spec, lat_spec, lat_spec,
        ],
        out_shape=[
            jax.ShapeDtypeStruct((B,), jnp.float32),
            jax.ShapeDtypeStruct((B, D), jnp.float32),
            jax.ShapeDtypeStruct((B, D), jnp.float32),
            jax.ShapeDtypeStruct((B, D), jnp.float32),
            jax.ShapeDtypeStruct((B, D), jnp.float32),
        ],
    )(g_u, g_i,
      W1, b1.reshape(1, 64), W2, b2.reshape(1, 32), Wp, bp.reshape(1, 1))


def kernel(user_indices, item_indices, mf_user_emb, mf_item_emb,
           mlp_user_emb, mlp_item_emb, W1, b1, W2, b2, Wp, bp):
    ui = user_indices.astype(jnp.int32)
    ii = item_indices.astype(jnp.int32)
    t128 = jnp.concatenate(
        [mf_user_emb, mlp_user_emb, mf_item_emb, mlp_item_emb], axis=1)
    g_u, g_i = _gather(ui, ii, t128)
    pred, umf, imf, umlp, imlp = _mlp(g_u, g_i, W1, b1, W2, b2, Wp, bp)
    user_repr = jnp.concatenate([umf, umlp], axis=0)
    item_repr = jnp.concatenate([imf, imlp], axis=0)
    return (pred, user_repr, item_repr)

# --- scband reference (transcript-rebuilt; emitter-appended) ---
"""Pipeline reference for scband-neu-mf-mtl-62457414418900 (READ-ONLY COPY).

The authoritative reference and input builder live on the scoring server;
editing this copy changes nothing except your own understanding.
"""

import jax, jax.numpy as jnp
import numpy as np

B = 16384
NUM_USERS = 1000000
NUM_ITEMS = 1000000
MF_DIM = 32
EMB_DIM = 32  # layers[0] // 2


def setup_inputs(seed: int = 0) -> dict:
    key = jax.random.key(seed)
    ks = jax.random.split(key, 12)
    user_indices = jax.random.randint(ks[0], (B,), 0, NUM_USERS, dtype=jnp.int64 if jax.config.jax_enable_x64 else jnp.int32)
    item_indices = jax.random.randint(ks[1], (B,), 0, NUM_ITEMS, dtype=jnp.int64 if jax.config.jax_enable_x64 else jnp.int32)
    # embedding tables (init normal std=0.01)
    mf_user_emb = jax.random.normal(ks[2], (NUM_USERS, MF_DIM), dtype=jnp.float32) * 0.01
    mf_item_emb = jax.random.normal(ks[3], (NUM_ITEMS, MF_DIM), dtype=jnp.float32) * 0.01
    mlp_user_emb = jax.random.normal(ks[4], (NUM_USERS, EMB_DIM), dtype=jnp.float32) * 0.01
    mlp_item_emb = jax.random.normal(ks[5], (NUM_ITEMS, EMB_DIM), dtype=jnp.float32) * 0.01
    # MLP layers: 64 -> 64 -> 32 (torch Linear convention: weight [out, in])
    W1 = jax.random.normal(ks[6], (64, 64), dtype=jnp.float32) * (1.0 / np.sqrt(64))
    b1 = jnp.zeros((64,), dtype=jnp.float32)
    W2 = jax.random.normal(ks[7], (32, 64), dtype=jnp.float32) * (1.0 / np.sqrt(64))
    b2 = jnp.zeros((32,), dtype=jnp.float32)
    # predict layer: (mf_dim + 32) = 64 -> 1, xavier uniform
    limit = np.sqrt(6.0 / (64 + 1))
    Wp = jax.random.uniform(ks[8], (1, 64), dtype=jnp.float32, minval=-limit, maxval=limit)
    bp = jnp.zeros((1,), dtype=jnp.float32)
    return {
        "user_indices": user_indices,
        "item_indices": item_indices,
        "mf_user_emb": mf_user_emb,
        "mf_item_emb": mf_item_emb,
        "mlp_user_emb": mlp_user_emb,
        "mlp_item_emb": mlp_item_emb,
        "W1": W1, "b1": b1, "W2": W2, "b2": b2, "Wp": Wp, "bp": bp,
    }


def reference(user_indices, item_indices, mf_user_emb, mf_item_emb,
              mlp_user_emb, mlp_item_emb, W1, b1, W2, b2, Wp, bp):
    # embedding lookups (gather)
    mf_user_latent = jnp.take(mf_user_emb, user_indices, axis=0)
    mf_item_latent = jnp.take(mf_item_emb, item_indices, axis=0)
    mlp_user_latent = jnp.take(mlp_user_emb, user_indices, axis=0)
    mlp_item_latent = jnp.take(mlp_item_emb, item_indices, axis=0)
    # augment=False -> no dropout (and eval-mode dropout is identity anyway)
    mf_vector = mf_user_latent * mf_item_latent
    mlp_vector = jnp.concatenate([mlp_user_latent, mlp_item_latent], axis=-1)
    h = jax.nn.relu(mlp_vector @ W1.T + b1)
    h = jax.nn.relu(h @ W2.T + b2)
    predict_vector = jnp.concatenate([mf_vector, h], axis=-1)
    prediction = jax.nn.sigmoid(predict_vector @ Wp.T + bp).squeeze()
    user_repr = jnp.concatenate([mf_user_latent, mlp_user_latent], axis=0)
    item_repr = jnp.concatenate([mf_item_latent, mlp_item_latent], axis=0)
    return (prediction, user_repr, item_repr)

if __name__ == "__main__":
    import jax
    _d = setup_inputs()
    print(jax.jit(kernel)(*tuple(_d.values())))

</pallas_src>

<mosaic_0001>
#map = affine_map<(d0, d1) -> (0)>
#map1 = affine_map<(d0, d1) -> (0, 0)>
module attributes {stable_mosaic.version = 14 : i64} {
  func.func @_gather_body(%arg0: i32, %arg1: i32, %arg2: memref<16384xi32, #tpu.memory_space<hbm>>, %arg3: memref<16384xi32, #tpu.memory_space<hbm>>, %arg4: memref<1000000x128xf32, #tpu.memory_space<hbm>>, %arg5: memref<16384x128xf32, #tpu.memory_space<hbm>>, %arg6: memref<16384x128xf32, #tpu.memory_space<hbm>>, %arg7: memref<512xi32, #tpu.memory_space<vmem>>, %arg8: memref<512xi32, #tpu.memory_space<vmem>>, %arg9: memref<128x128xf32, #tpu.memory_space<vmem>>, %arg10: memref<128x128xf32, #tpu.memory_space<vmem>>, %arg11: memref<!tpu.dma_semaphore, #tpu.memory_space<semaphore_mem>>, %arg12: memref<!tpu.dma_semaphore, #tpu.memory_space<semaphore_mem>>) attributes {dimension_semantics = [#tpu.dimension_semantics<core_parallel>, #tpu.dimension_semantics<subcore_parallel>], iteration_bounds = array<i64: 2, 16>, scalar_prefetch = 0 : i64, scratch_operands = 6 : i64, tpu.core_type = #tpu.core_type<sc_vector_subcore>, window_params = [{transform_indices = #map}, {transform_indices = #map}, {transform_indices = #map1}, {transform_indices = #map1}, {transform_indices = #map1}]} {
    %mul3A = arith.constant 2 : i32
    %mul3A_0 = arith.muli %arg1, %mul3A : i32
    %add3A = arith.addi %mul3A_0, %arg0 : i32
    %mul3A_1 = arith.constant 512 : i32
    %mul3A_2 = arith.muli %add3A, %mul3A_1 : i32
    "tpu.region"() ({
      %run_scoped3A = tpu.sem_alloc : memref<!tpu.dma_semaphore, #tpu.memory_space<semaphore_mem>>
      %dma_start3A_97 = tpu.memref_slice %arg2[%mul3A_2] : memref<16384xi32, #tpu.memory_space<hbm>> -> memref<512xi32, #tpu.memory_space<hbm>>
      %dma_start3A_98 = tpu.memref_slice %arg2[%mul3A_2] : memref<16384xi32, #tpu.memory_space<hbm>> -> memref<512xi32, #tpu.memory_space<hbm>>
      tpu.enqueue_dma source(%dma_start3A_98 : memref<512xi32, #tpu.memory_space<hbm>>) target(%arg7 : memref<512xi32, #tpu.memory_space<vmem>>) target_semaphore(%run_scoped3A : memref<!tpu.dma_semaphore, #tpu.memory_space<semaphore_mem>>)
      %dma_wait3A_99 = tpu.memref_slice %arg2[%mul3A_2] : memref<16384xi32, #tpu.memory_space<hbm>> -> memref<512xi32, #tpu.memory_space<hbm>>
      %dma_wait3A_100 = tpu.memref_slice %arg2[%mul3A_2] : memref<16384xi32, #tpu.memory_space<hbm>> -> memref<512xi32, #tpu.memory_space<hbm>>
      tpu.wait_dma2 semaphore(%run_scoped3A : memref<!tpu.dma_semaphore, #tpu.memory_space<semaphore_mem>>) src(%dma_wait3A_100 : memref<512xi32, #tpu.memory_space<hbm>>) dst(%arg7 : memref<512xi32, #tpu.memory_space<vmem>>)
      tpu.yield
    }) : () -> ()
    "tpu.region"() ({
      %run_scoped3A = tpu.sem_alloc : memref<!tpu.dma_semaphore, #tpu.memory_space<semaphore_mem>>
      %dma_start3A_97 = tpu.memref_slice %arg3[%mul3A_2] : memref<16384xi32, #tpu.memory_space<hbm>> -> memref<512xi32, #tpu.memory_space<hbm>>
      %dma_start3A_98 = tpu.memref_slice %arg3[%mul3A_2] : memref<16384xi32, #tpu.memory_space<hbm>> -> memref<512xi32, #tpu.memory_space<hbm>>
      tpu.enqueue_dma source(%dma_start3A_98 : memref<512xi32, #tpu.memory_space<hbm>>) target(%arg8 : memref<512xi32, #tpu.memory_space<vmem>>) target_semaphore(%run_scoped3A : memref<!tpu.dma_semaphore, #tpu.memory_space<semaphore_mem>>)
      %dma_wait3A_99 = tpu.memref_slice %arg3[%mul3A_2] : memref<16384xi32, #tpu.memory_space<hbm>> -> memref<512xi32, #tpu.memory_space<hbm>>
      %dma_wait3A_100 = tpu.memref_slice %arg3[%mul3A_2] : memref<16384xi32, #tpu.memory_space<hbm>> -> memref<512xi32, #tpu.memory_space<hbm>>
      tpu.wait_dma2 semaphore(%run_scoped3A : memref<!tpu.dma_semaphore, #tpu.memory_space<semaphore_mem>>) src(%dma_wait3A_100 : memref<512xi32, #tpu.memory_space<hbm>>) dst(%arg8 : memref<512xi32, #tpu.memory_space<vmem>>)
      tpu.yield
    }) : () -> ()
    %dma_start3A = arith.constant 0 : i32
    %dma_start3A_3 = tpu.memref_slice %arg7[%dma_start3A] : memref<512xi32, #tpu.memory_space<vmem>> -> memref<128xi32, #tpu.memory_space<vmem>>
    %dma_start3A_4 = arith.constant 0 : i32
    %dma_start3A_5 = arith.constant 0 : i32
    %dma_start3A_6 = tpu.memref_slice %arg4[%dma_start3A_4, %dma_start3A_5] : memref<1000000x128xf32, #tpu.memory_space<hbm>> -> memref<1000000x128xf32, #tpu.memory_space<hbm>>
    tpu.enqueue_indirect_dma source(%dma_start3A_6 : memref<1000000x128xf32, #tpu.memory_space<hbm>>) target(%arg9 : memref<128x128xf32, #tpu.memory_space<vmem>>) offsets(%dma_start3A_3 : memref<128xi32, #tpu.memory_space<vmem>>) semaphore(%arg11 : memref<!tpu.dma_semaphore, #tpu.memory_space<semaphore_mem>>)
    %dma_start3A_7 = arith.constant 0 : i32
    %dma_start3A_8 = tpu.memref_slice %arg8[%dma_start3A_7] : memref<512xi32, #tpu.memory_space<vmem>> -> memref<128xi32, #tpu.memory_space<vmem>>
    %dma_start3A_9 = arith.constant 0 : i32
    %dma_start3A_10 = arith.constant 0 : i32
    %dma_start3A_11 = tpu.memref_slice %arg4[%dma_start3A_9, %dma_start3A_10] : memref<1000000x128xf32, #tpu.memory_space<hbm>> -> memref<1000000x128xf32, #tpu.memory_space<hbm>>
    tpu.enqueue_indirect_dma source(%dma_start3A_11 : memref<1000000x128xf32, #tpu.memory_space<hbm>>) target(%arg10 : memref<128x128xf32, #tpu.memory_space<vmem>>) offsets(%dma_start3A_8 : memref<128xi32, #tpu.memory_space<vmem>>) semaphore(%arg12 : memref<!tpu.dma_semaphore, #tpu.memory_space<semaphore_mem>>)
    %dma_wait3A = arith.constant 0 : i32
    %dma_wait3A_12 = tpu.memref_slice %arg7[%dma_wait3A] : memref<512xi32, #tpu.memory_space<vmem>> -> memref<128xi32, #tpu.memory_space<vmem>>
    %dma_wait3A_13 = arith.constant 0 : i32
    %dma_wait3A_14 = arith.constant 0 : i32
    %dma_wait3A_15 = tpu.memref_slice %arg4[%dma_wait3A_13, %dma_wait3A_14] : memref<1000000x128xf32, #tpu.memory_space<hbm>> -> memref<1000000x128xf32, #tpu.memory_space<hbm>>
    tpu.wait_indirect_dma semaphore(%arg11 : memref<!tpu.dma_semaphore, #tpu.memory_space<semaphore_mem>>) src(%dma_wait3A_15 : memref<1000000x128xf32, #tpu.memory_space<hbm>>) dst(%arg9 : memref<128x128xf32, #tpu.memory_space<vmem>>)
    %add3A_16 = arith.constant 0 : i32
    %add3A_17 = arith.addi %mul3A_2, %add3A_16 : i32
    "tpu.region"() ({
      %run_scoped3A = tpu.sem_alloc : memref<!tpu.dma_semaphore, #tpu.memory_space<semaphore_mem>>
      %dma_start3A_97 = arith.constant 0 : i32
      %dma_start3A_98 = tpu.memref_slice %arg5[%add3A_17, %dma_start3A_97] : memref<16384x128xf32, #tpu.memory_space<hbm>> -> memref<128x128xf32, #tpu.memory_space<hbm>>
      %dma_start3A_99 = arith.constant 0 : i32
      %dma_start3A_100 = tpu.memref_slice %arg5[%add3A_17, %dma_start3A_99] : memref<16384x128xf32, #tpu.memory_space<hbm>> -> memref<128x128xf32, #tpu.memory_space<hbm>>
      tpu.enqueue_dma source(%arg9 : memref<128x128xf32, #tpu.memory_space<vmem>>) target(%dma_start3A_100 : memref<128x128xf32, #tpu.memory_space<hbm>>) target_semaphore(%run_scoped3A : memref<!tpu.dma_semaphore, #tpu.memory_space<semaphore_mem>>)
      %dma_wait3A_101 = arith.constant 0 : i32
      %dma_wait3A_102 = tpu.memref_slice %arg5[%add3A_17, %dma_wait3A_101] : memref<16384x128xf32, #tpu.memory_space<hbm>> -> memref<128x128xf32, #tpu.memory_space<hbm>>
      %dma_wait3A_103 = arith.constant 0 : i32
      %dma_wait3A_104 = tpu.memref_slice %arg5[%add3A_17, %dma_wait3A_103] : memref<16384x128xf32, #tpu.memory_space<hbm>> -> memref<128x128xf32, #tpu.memory_space<hbm>>
      tpu.wait_dma2 semaphore(%run_scoped3A : memref<!tpu.dma_semaphore, #tpu.memory_space<semaphore_mem>>) src(%arg9 : memref<128x128xf32, #tpu.memory_space<vmem>>) dst(%dma_wait3A_104 : memref<128x128xf32, #tpu.memory_space<hbm>>)
      tpu.yield
    }) : () -> ()
    %dma_wait3A_18 = arith.constant 0 : i32
    %dma_wait3A_19 = tpu.memref_slice %arg8[%dma_wait3A_18] : memref<512xi32, #tpu.memory_space<vmem>> -> memref<128xi32, #tpu.memory_space<vmem>>
    %dma_wait3A_20 = arith.constant 0 : i32
    %dma_wait3A_21 = arith.constant 0 : i32
    %dma_wait3A_22 = tpu.memref_slice %arg4[%dma_wait3A_20, %dma_wait3A_21] : memref<1000000x128xf32, #tpu.memory_space<hbm>> -> memref<1000000x128xf32, #tpu.memory_space<hbm>>
    tpu.wait_indirect_dma semaphore(%arg12 : memref<!tpu.dma_semaphore, #tpu.memory_space<semaphore_mem>>) src(%dma_wait3A_22 : memref<1000000x128xf32, #tpu.memory_space<hbm>>) dst(%arg10 : memref<128x128xf32, #tpu.memory_space<vmem>>)
    %add3A_23 = arith.constant 0 : i32
    %add3A_24 = arith.addi %mul3A_2, %add3A_23 : i32
    "tpu.region"() ({
      %run_scoped3A = tpu.sem_alloc : memref<!tpu.dma_semaphore, #tpu.memory_space<semaphore_mem>>
      %dma_start3A_97 = arith.constant 0 : i32
      %dma_start3A_98 = tpu.memref_slice %arg6[%add3A_24, %dma_start3A_97] : memref<16384x128xf32, #tpu.memory_space<hbm>> -> memref<128x128xf32, #tpu.memory_space<hbm>>
      %dma_start3A_99 = arith.constant 0 : i32
      %dma_start3A_100 = tpu.memref_slice %arg6[%add3A_24, %dma_start3A_99] : memref<16384x128xf32, #tpu.memory_space<hbm>> -> memref<128x128xf32, #tpu.memory_space<hbm>>
      tpu.enqueue_dma source(%arg10 : memref<128x128xf32, #tpu.memory_space<vmem>>) target(%dma_start3A_100 : memref<128x128xf32, #tpu.memory_space<hbm>>) target_semaphore(%run_scoped3A : memref<!tpu.dma_semaphore, #tpu.memory_space<semaphore_mem>>)
      %dma_wait3A_101 = arith.constant 0 : i32
      %dma_wait3A_102 = tpu.memref_slice %arg6[%add3A_24, %dma_wait3A_101] : memref<16384x128xf32, #tpu.memory_space<hbm>> -> memref<128x128xf32, #tpu.memory_space<hbm>>
      %dma_wait3A_103 = arith.constant 0 : i32
      %dma_wait3A_104 = tpu.memref_slice %arg6[%add3A_24, %dma_wait3A_103] : memref<16384x128xf32, #tpu.memory_space<hbm>> -> memref<128x128xf32, #tpu.memory_space<hbm>>
      tpu.wait_dma2 semaphore(%run_scoped3A : memref<!tpu.dma_semaphore, #tpu.memory_space<semaphore_mem>>) src(%arg10 : memref<128x128xf32, #tpu.memory_space<vmem>>) dst(%dma_wait3A_104 : memref<128x128xf32, #tpu.memory_space<hbm>>)
      tpu.yield
    }) : () -> ()
    %dma_start3A_25 = arith.constant 128 : i32
    %dma_start3A_26 = tpu.memref_slice %arg7[%dma_start3A_25] : memref<512xi32, #tpu.memory_space<vmem>> -> memref<128xi32, #tpu.memory_space<vmem>>
    %dma_start3A_27 = arith.constant 0 : i32
    %dma_start3A_28 = arith.constant 0 : i32
    %dma_start3A_29 = tpu.memref_slice %arg4[%dma_start3A_27, %dma_start3A_28] : memref<1000000x128xf32, #tpu.memory_space<hbm>> -> memref<1000000x128xf32, #tpu.memory_space<hbm>>
    tpu.enqueue_indirect_dma source(%dma_start3A_29 : memref<1000000x128xf32, #tpu.memory_space<hbm>>) target(%arg9 : memref<128x128xf32, #tpu.memory_space<vmem>>) offsets(%dma_start3A_26 : memref<128xi32, #tpu.memory_space<vmem>>) semaphore(%arg11 : memref<!tpu.dma_semaphore, #tpu.memory_space<semaphore_mem>>)
    %dma_start3A_30 = arith.constant 128 : i32
    %dma_start3A_31 = tpu.memref_slice %arg8[%dma_start3A_30] : memref<512xi32, #tpu.memory_space<vmem>> -> memref<128xi32, #tpu.memory_space<vmem>>
    %dma_start3A_32 = arith.constant 0 : i32
    %dma_start3A_33 = arith.constant 0 : i32
    %dma_start3A_34 = tpu.memref_slice %arg4[%dma_start3A_32, %dma_start3A_33] : memref<1000000x128xf32, #tpu.memory_space<hbm>> -> memref<1000000x128xf32, #tpu.memory_space<hbm>>
    tpu.enqueue_indirect_dma source(%dma_start3A_34 : memref<1000000x128xf32, #tpu.memory_space<hbm>>) target(%arg10 : memref<128x128xf32, #tpu.memory_space<vmem>>) offsets(%dma_start3A_31 : memref<128xi32, #tpu.memory_space<vmem>>) semaphore(%arg12 : memref<!tpu.dma_semaphore, #tpu.memory_space<semaphore_mem>>)
    %dma_wait3A_35 = arith.constant 128 : i32
    %dma_wait3A_36 = tpu.memref_slice %arg7[%dma_wait3A_35] : memref<512xi32, #tpu.memory_space<vmem>> -> memref<128xi32, #tpu.memory_space<vmem>>
    %dma_wait3A_37 = arith.constant 0 : i32
    %dma_wait3A_38 = arith.constant 0 : i32
    %dma_wait3A_39 = tpu.memref_slice %arg4[%dma_wait3A_37, %dma_wait3A_38] : memref<1000000x128xf32, #tpu.memory_space<hbm>> -> memref<1000000x128xf32, #tpu.memory_space<hbm>>
    tpu.wait_indirect_dma semaphore(%arg11 : memref<!tpu.dma_semaphore, #tpu.memory_space<semaphore_mem>>) src(%dma_wait3A_39 : memref<1000000x128xf32, #tpu.memory_space<hbm>>) dst(%arg9 : memref<128x128xf32, #tpu.memory_space<vmem>>)
    %add3A_40 = arith.constant 128 : i32
    %add3A_41 = arith.addi %mul3A_2, %add3A_40 : i32
    "tpu.region"() ({
      %run_scoped3A = tpu.sem_alloc : memref<!tpu.dma_semaphore, #tpu.memory_space<semaphore_mem>>
      %dma_start3A_97 = arith.constant 0 : i32
      %dma_start3A_98 = tpu.memref_slice %arg5[%add3A_41, %dma_start3A_97] : memref<16384x128xf32, #tpu.memory_space<hbm>> -> memref<128x128xf32, #tpu.memory_space<hbm>>
      %dma_start3A_99 = arith.constant 0 : i32
      %dma_start3A_100 = tpu.memref_slice %arg5[%add3A_41, %dma_start3A_99] : memref<16384x128xf32, #tpu.memory_space<hbm>> -> memref<128x128xf32, #tpu.memory_space<hbm>>
      tpu.enqueue_dma source(%arg9 : memref<128x128xf32, #tpu.memory_space<vmem>>) target(%dma_start3A_100 : memref<128x128xf32, #tpu.memory_space<hbm>>) target_semaphore(%run_scoped3A : memref<!tpu.dma_semaphore, #tpu.memory_space<semaphore_mem>>)
      %dma_wait3A_101 = arith.constant 0 : i32
      %dma_wait3A_102 = tpu.memref_slice %arg5[%add3A_41, %dma_wait3A_101] : memref<16384x128xf32, #tpu.memory_space<hbm>> -> memref<128x128xf32, #tpu.memory_space<hbm>>
      %dma_wait3A_103 = arith.constant 0 : i32
      %dma_wait3A_104 = tpu.memref_slice %arg5[%add3A_41, %dma_wait3A_103] : memref<16384x128xf32, #tpu.memory_space<hbm>> -> memref<128x128xf32, #tpu.memory_space<hbm>>
      tpu.wait_dma2 semaphore(%run_scoped3A : memref<!tpu.dma_semaphore, #tpu.memory_space<semaphore_mem>>) src(%arg9 : memref<128x128xf32, #tpu.memory_space<vmem>>) dst(%dma_wait3A_104 : memref<128x128xf32, #tpu.memory_space<hbm>>)
      tpu.yield
    }) : () -> ()
    %dma_wait3A_42 = arith.constant 128 : i32
    %dma_wait3A_43 = tpu.memref_slice %arg8[%dma_wait3A_42] : memref<512xi32, #tpu.memory_space<vmem>> -> memref<128xi32, #tpu.memory_space<vmem>>
    %dma_wait3A_44 = arith.constant 0 : i32
    %dma_wait3A_45 = arith.constant 0 : i32
    %dma_wait3A_46 = tpu.memref_slice %arg4[%dma_wait3A_44, %dma_wait3A_45] : memref<1000000x128xf32, #tpu.memory_space<hbm>> -> memref<1000000x128xf32, #tpu.memory_space<hbm>>
    tpu.wait_indirect_dma semaphore(%arg12 : memref<!tpu.dma_semaphore, #tpu.memory_space<semaphore_mem>>) src(%dma_wait3A_46 : memref<1000000x128xf32, #tpu.memory_space<hbm>>) dst(%arg10 : memref<128x128xf32, #tpu.memory_space<vmem>>)
    %add3A_47 = arith.constant 128 : i32
    %add3A_48 = arith.addi %mul3A_2, %add3A_47 : i32
    "tpu.region"() ({
      %run_scoped3A = tpu.sem_alloc : memref<!tpu.dma_semaphore, #tpu.memory_space<semaphore_mem>>
      %dma_start3A_97 = arith.constant 0 : i32
      %dma_start3A_98 = tpu.memref_slice %arg6[%add3A_48, %dma_start3A_97] : memref<16384x128xf32, #tpu.memory_space<hbm>> -> memref<128x128xf32, #tpu.memory_space<hbm>>
      %dma_start3A_99 = arith.constant 0 : i32
      %dma_start3A_100 = tpu.memref_slice %arg6[%add3A_48, %dma_start3A_99] : memref<16384x128xf32, #tpu.memory_space<hbm>> -> memref<128x128xf32, #tpu.memory_space<hbm>>
      tpu.enqueue_dma source(%arg10 : memref<128x128xf32, #tpu.memory_space<vmem>>) target(%dma_start3A_100 : memref<128x128xf32, #tpu.memory_space<hbm>>) target_semaphore(%run_scoped3A : memref<!tpu.dma_semaphore, #tpu.memory_space<semaphore_mem>>)
      %dma_wait3A_101 = arith.constant 0 : i32
      %dma_wait3A_102 = tpu.memref_slice %arg6[%add3A_48, %dma_wait3A_101] : memref<16384x128xf32, #tpu.memory_space<hbm>> -> memref<128x128xf32, #tpu.memory_space<hbm>>
      %dma_wait3A_103 = arith.constant 0 : i32
      %dma_wait3A_104 = tpu.memref_slice %arg6[%add3A_48, %dma_wait3A_103] : memref<16384x128xf32, #tpu.memory_space<hbm>> -> memref<128x128xf32, #tpu.memory_space<hbm>>
      tpu.wait_dma2 semaphore(%run_scoped3A : memref<!tpu.dma_semaphore, #tpu.memory_space<semaphore_mem>>) src(%arg10 : memref<128x128xf32, #tpu.memory_space<vmem>>) dst(%dma_wait3A_104 : memref<128x128xf32, #tpu.memory_space<hbm>>)
      tpu.yield
    }) : () -> ()
    %dma_start3A_49 = arith.constant 256 : i32
    %dma_start3A_50 = tpu.memref_slice %arg7[%dma_start3A_49] : memref<512xi32, #tpu.memory_space<vmem>> -> memref<128xi32, #tpu.memory_space<vmem>>
    %dma_start3A_51 = arith.constant 0 : i32
    %dma_start3A_52 = arith.constant 0 : i32
    %dma_start3A_53 = tpu.memref_slice %arg4[%dma_start3A_51, %dma_start3A_52] : memref<1000000x128xf32, #tpu.memory_space<hbm>> -> memref<1000000x128xf32, #tpu.memory_space<hbm>>
    tpu.enqueue_indirect_dma source(%dma_start3A_53 : memref<1000000x128xf32, #tpu.memory_space<hbm>>) target(%arg9 : memref<128x128xf32, #tpu.memory_space<vmem>>) offsets(%dma_start3A_50 : memref<128xi32, #tpu.memory_space<vmem>>) semaphore(%arg11 : memref<!tpu.dma_semaphore, #tpu.memory_space<semaphore_mem>>)
    %dma_start3A_54 = arith.constant 256 : i32
    %dma_start3A_55 = tpu.memref_slice %arg8[%dma_start3A_54] : memref<512xi32, #tpu.memory_space<vmem>> -> memref<128xi32, #tpu.memory_space<vmem>>
    %dma_start3A_56 = arith.constant 0 : i32
    %dma_start3A_57 = arith.constant 0 : i32
    %dma_start3A_58 = tpu.memref_slice %arg4[%dma_start3A_56, %dma_start3A_57] : memref<1000000x128xf32, #tpu.memory_space<hbm>> -> memref<1000000x128xf32, #tpu.memory_space<hbm>>
    tpu.enqueue_indirect_dma source(%dma_start3A_58 : memref<1000000x128xf32, #tpu.memory_space<hbm>>) target(%arg10 : memref<128x128xf32, #tpu.memory_space<vmem>>) offsets(%dma_start3A_55 : memref<128xi32, #tpu.memory_space<vmem>>) semaphore(%arg12 : memref<!tpu.dma_semaphore, #tpu.memory_space<semaphore_mem>>)
    %dma_wait3A_59 = arith.constant 256 : i32
    %dma_wait3A_60 = tpu.memref_slice %arg7[%dma_wait3A_59] : memref<512xi32, #tpu.memory_space<vmem>> -> memref<128xi32, #tpu.memory_space<vmem>>
    %dma_wait3A_61 = arith.constant 0 : i32
    %dma_wait3A_62 = arith.constant 0 : i32
    %dma_wait3A_63 = tpu.memref_slice %arg4[%dma_wait3A_61, %dma_wait3A_62] : memref<1000000x128xf32, #tpu.memory_space<hbm>> -> memref<1000000x128xf32, #tpu.memory_space<hbm>>
    tpu.wait_indirect_dma semaphore(%arg11 : memref<!tpu.dma_semaphore, #tpu.memory_space<semaphore_mem>>) src(%dma_wait3A_63 : memref<1000000x128xf32, #tpu.memory_space<hbm>>) dst(%arg9 : memref<128x128xf32, #tpu.memory_space<vmem>>)
    %add3A_64 = arith.constant 256 : i32
    %add3A_65 = arith.addi %mul3A_2, %add3A_64 : i32
    "tpu.region"() ({
      %run_scoped3A = tpu.sem_alloc : memref<!tpu.dma_semaphore, #tpu.memory_space<semaphore_mem>>
      %dma_start3A_97 = arith.constant 0 : i32
      %dma_start3A_98 = tpu.memref_slice %arg5[%add3A_65, %dma_start3A_97] : memref<16384x128xf32, #tpu.memory_space<hbm>> -> memref<128x128xf32, #tpu.memory_space<hbm>>
      %dma_start3A_99 = arith.constant 0 : i32
      %dma_start3A_100 = tpu.memref_slice %arg5[%add3A_65, %dma_start3A_99] : memref<16384x128xf32, #tpu.memory_space<hbm>> -> memref<128x128xf32, #tpu.memory_space<hbm>>
      tpu.enqueue_dma source(%arg9 : memref<128x128xf32, #tpu.memory_space<vmem>>) target(%dma_start3A_100 : memref<128x128xf32, #tpu.memory_space<hbm>>) target_semaphore(%run_scoped3A : memref<!tpu.dma_semaphore, #tpu.memory_space<semaphore_mem>>)
      %dma_wait3A_101 = arith.constant 0 : i32
      %dma_wait3A_102 = tpu.memref_slice %arg5[%add3A_65, %dma_wait3A_101] : memref<16384x128xf32, #tpu.memory_space<hbm>> -> memref<128x128xf32, #tpu.memory_space<hbm>>
      %dma_wait3A_103 = arith.constant 0 : i32
      %dma_wait3A_104 = tpu.memref_slice %arg5[%add3A_65, %dma_wait3A_103] : memref<16384x128xf32, #tpu.memory_space<hbm>> -> memref<128x128xf32, #tpu.memory_space<hbm>>
      tpu.wait_dma2 semaphore(%run_scoped3A : memref<!tpu.dma_semaphore, #tpu.memory_space<semaphore_mem>>) src(%arg9 : memref<128x128xf32, #tpu.memory_space<vmem>>) dst(%dma_wait3A_104 : memref<128x128xf32, #tpu.memory_space<hbm>>)
      tpu.yield
    }) : () -> ()
    %dma_wait3A_66 = arith.constant 256 : i32
    %dma_wait3A_67 = tpu.memref_slice %arg8[%dma_wait3A_66] : memref<512xi32, #tpu.memory_space<vmem>> -> memref<128xi32, #tpu.memory_space<vmem>>
    %dma_wait3A_68 = arith.constant 0 : i32
    %dma_wait3A_69 = arith.constant 0 : i32
    %dma_wait3A_70 = tpu.memref_slice %arg4[%dma_wait3A_68, %dma_wait3A_69] : memref<1000000x128xf32, #tpu.memory_space<hbm>> -> memref<1000000x128xf32, #tpu.memory_space<hbm>>
    tpu.wait_indirect_dma semaphore(%arg12 : memref<!tpu.dma_semaphore, #tpu.memory_space<semaphore_mem>>) src(%dma_wait3A_70 : memref<1000000x128xf32, #tpu.memory_space<hbm>>) dst(%arg10 : memref<128x128xf32, #tpu.memory_space<vmem>>)
    %add3A_71 = arith.constant 256 : i32
    %add3A_72 = arith.addi %mul3A_2, %add3A_71 : i32
    "tpu.region"() ({
      %run_scoped3A = tpu.sem_alloc : memref<!tpu.dma_semaphore, #tpu.memory_space<semaphore_mem>>
      %dma_start3A_97 = arith.constant 0 : i32
      %dma_start3A_98 = tpu.memref_slice %arg6[%add3A_72, %dma_start3A_97] : memref<16384x128xf32, #tpu.memory_space<hbm>> -> memref<128x128xf32, #tpu.memory_space<hbm>>
      %dma_start3A_99 = arith.constant 0 : i32
      %dma_start3A_100 = tpu.memref_slice %arg6[%add3A_72, %dma_start3A_99] : memref<16384x128xf32, #tpu.memory_space<hbm>> -> memref<128x128xf32, #tpu.memory_space<hbm>>
      tpu.enqueue_dma source(%arg10 : memref<128x128xf32, #tpu.memory_space<vmem>>) target(%dma_start3A_100 : memref<128x128xf32, #tpu.memory_space<hbm>>) target_semaphore(%run_scoped3A : memref<!tpu.dma_semaphore, #tpu.memory_space<semaphore_mem>>)
      %dma_wait3A_101 = arith.constant 0 : i32
      %dma_wait3A_102 = tpu.memref_slice %arg6[%add3A_72, %dma_wait3A_101] : memref<16384x128xf32, #tpu.memory_space<hbm>> -> memref<128x128xf32, #tpu.memory_space<hbm>>
      %dma_wait3A_103 = arith.constant 0 : i32
      %dma_wait3A_104 = tpu.memref_slice %arg6[%add3A_72, %dma_wait3A_103] : memref<16384x128xf32, #tpu.memory_space<hbm>> -> memref<128x128xf32, #tpu.memory_space<hbm>>
      tpu.wait_dma2 semaphore(%run_scoped3A : memref<!tpu.dma_semaphore, #tpu.memory_space<semaphore_mem>>) src(%arg10 : memref<128x128xf32, #tpu.memory_space<vmem>>) dst(%dma_wait3A_104 : memref<128x128xf32, #tpu.memory_space<hbm>>)
      tpu.yield
    }) : () -> ()
    %dma_start3A_73 = arith.constant 384 : i32
    %dma_start3A_74 = tpu.memref_slice %arg7[%dma_start3A_73] : memref<512xi32, #tpu.memory_space<vmem>> -> memref<128xi32, #tpu.memory_space<vmem>>
    %dma_start3A_75 = arith.constant 0 : i32
    %dma_start3A_76 = arith.constant 0 : i32
    %dma_start3A_77 = tpu.memref_slice %arg4[%dma_start3A_75, %dma_start3A_76] : memref<1000000x128xf32, #tpu.memory_space<hbm>> -> memref<1000000x128xf32, #tpu.memory_space<hbm>>
    tpu.enqueue_indirect_dma source(%dma_start3A_77 : memref<1000000x128xf32, #tpu.memory_space<hbm>>) target(%arg9 : memref<128x128xf32, #tpu.memory_space<vmem>>) offsets(%dma_start3A_74 : memref<128xi32, #tpu.memory_space<vmem>>) semaphore(%arg11 : memref<!tpu.dma_semaphore, #tpu.memory_space<semaphore_mem>>)
    %dma_start3A_78 = arith.constant 384 : i32
    %dma_start3A_79 = tpu.memref_slice %arg8[%dma_start3A_78] : memref<512xi32, #tpu.memory_space<vmem>> -> memref<128xi32, #tpu.memory_space<vmem>>
    %dma_start3A_80 = arith.constant 0 : i32
    %dma_start3A_81 = arith.constant 0 : i32
    %dma_start3A_82 = tpu.memref_slice %arg4[%dma_start3A_80, %dma_start3A_81] : memref<1000000x128xf32, #tpu.memory_space<hbm>> -> memref<1000000x128xf32, #tpu.memory_space<hbm>>
    tpu.enqueue_indirect_dma source(%dma_start3A_82 : memref<1000000x128xf32, #tpu.memory_space<hbm>>) target(%arg10 : memref<128x128xf32, #tpu.memory_space<vmem>>) offsets(%dma_start3A_79 : memref<128xi32, #tpu.memory_space<vmem>>) semaphore(%arg12 : memref<!tpu.dma_semaphore, #tpu.memory_space<semaphore_mem>>)
    %dma_wait3A_83 = arith.constant 384 : i32
    %dma_wait3A_84 = tpu.memref_slice %arg7[%dma_wait3A_83] : memref<512xi32, #tpu.memory_space<vmem>> -> memref<128xi32, #tpu.memory_space<vmem>>
    %dma_wait3A_85 = arith.constant 0 : i32
    %dma_wait3A_86 = arith.constant 0 : i32
    %dma_wait3A_87 = tpu.memref_slice %arg4[%dma_wait3A_85, %dma_wait3A_86] : memref<1000000x128xf32, #tpu.memory_space<hbm>> -> memref<1000000x128xf32, #tpu.memory_space<hbm>>
    tpu.wait_indirect_dma semaphore(%arg11 : memref<!tpu.dma_semaphore, #tpu.memory_space<semaphore_mem>>) src(%dma_wait3A_87 : memref<1000000x128xf32, #tpu.memory_space<hbm>>) dst(%arg9 : memref<128x128xf32, #tpu.memory_space<vmem>>)
    %add3A_88 = arith.constant 384 : i32
    %add3A_89 = arith.addi %mul3A_2, %add3A_88 : i32
    "tpu.region"() ({
      %run_scoped3A = tpu.sem_alloc : memref<!tpu.dma_semaphore, #tpu.memory_space<semaphore_mem>>
      %dma_start3A_97 = arith.constant 0 : i32
      %dma_start3A_98 = tpu.memref_slice %arg5[%add3A_89, %dma_start3A_97] : memref<16384x128xf32, #tpu.memory_space<hbm>> -> memref<128x128xf32, #tpu.memory_space<hbm>>
      %dma_start3A_99 = arith.constant 0 : i32
      %dma_start3A_100 = tpu.memref_slice %arg5[%add3A_89, %dma_start3A_99] : memref<16384x128xf32, #tpu.memory_space<hbm>> -> memref<128x128xf32, #tpu.memory_space<hbm>>
      tpu.enqueue_dma source(%arg9 : memref<128x128xf32, #tpu.memory_space<vmem>>) target(%dma_start3A_100 : memref<128x128xf32, #tpu.memory_space<hbm>>) target_semaphore(%run_scoped3A : memref<!tpu.dma_semaphore, #tpu.memory_space<semaphore_mem>>)
      %dma_wait3A_101 = arith.constant 0 : i32
      %dma_wait3A_102 = tpu.memref_slice %arg5[%add3A_89, %dma_wait3A_101] : memref<16384x128xf32, #tpu.memory_space<hbm>> -> memref<128x128xf32, #tpu.memory_space<hbm>>
      %dma_wait3A_103 = arith.constant 0 : i32
      %dma_wait3A_104 = tpu.memref_slice %arg5[%add3A_89, %dma_wait3A_103] : memref<16384x128xf32, #tpu.memory_space<hbm>> -> memref<128x128xf32, #tpu.memory_space<hbm>>
      tpu.wait_dma2 semaphore(%run_scoped3A : memref<!tpu.dma_semaphore, #tpu.memory_space<semaphore_mem>>) src(%arg9 : memref<128x128xf32, #tpu.memory_space<vmem>>) dst(%dma_wait3A_104 : memref<128x128xf32, #tpu.memory_space<hbm>>)
      tpu.yield
    }) : () -> ()
    %dma_wait3A_90 = arith.constant 384 : i32
    %dma_wait3A_91 = tpu.memref_slice %arg8[%dma_wait3A_90] : memref<512xi32, #tpu.memory_space<vmem>> -> memref<128xi32, #tpu.memory_space<vmem>>
    %dma_wait3A_92 = arith.constant 0 : i32
    %dma_wait3A_93 = arith.constant 0 : i32
    %dma_wait3A_94 = tpu.memref_slice %arg4[%dma_wait3A_92, %dma_wait3A_93] : memref<1000000x128xf32, #tpu.memory_space<hbm>> -> memref<1000000x128xf32, #tpu.memory_space<hbm>>
    tpu.wait_indirect_dma semaphore(%arg12 : memref<!tpu.dma_semaphore, #tpu.memory_space<semaphore_mem>>) src(%dma_wait3A_94 : memref<1000000x128xf32, #tpu.memory_space<hbm>>) dst(%arg10 : memref<128x128xf32, #tpu.memory_space<vmem>>)
    %add3A_95 = arith.constant 384 : i32
    %add3A_96 = arith.addi %mul3A_2, %add3A_95 : i32
    "tpu.region"() ({
      %run_scoped3A = tpu.sem_alloc : memref<!tpu.dma_semaphore, #tpu.memory_space<semaphore_mem>>
      %dma_start3A_97 = arith.constant 0 : i32
      %dma_start3A_98 = tpu.memref_slice %arg6[%add3A_96, %dma_start3A_97] : memref<16384x128xf32, #tpu.memory_space<hbm>> -> memref<128x128xf32, #tpu.memory_space<hbm>>
      %dma_start3A_99 = arith.constant 0 : i32
      %dma_start3A_100 = tpu.memref_slice %arg6[%add3A_96, %dma_start3A_99] : memref<16384x128xf32, #tpu.memory_space<hbm>> -> memref<128x128xf32, #tpu.memory_space<hbm>>
      tpu.enqueue_dma source(%arg10 : memref<128x128xf32, #tpu.memory_space<vmem>>) target(%dma_start3A_100 : memref<128x128xf32, #tpu.memory_space<hbm>>) target_semaphore(%run_scoped3A : memref<!tpu.dma_semaphore, #tpu.memory_space<semaphore_mem>>)
      %dma_wait3A_101 = arith.constant 0 : i32
      %dma_wait3A_102 = tpu.memref_slice %arg6[%add3A_96, %dma_wait3A_101] : memref<16384x128xf32, #tpu.memory_space<hbm>> -> memref<128x128xf32, #tpu.memory_space<hbm>>
      %dma_wait3A_103 = arith.constant 0 : i32
      %dma_wait3A_104 = tpu.memref_slice %arg6[%add3A_96, %dma_wait3A_103] : memref<16384x128xf32, #tpu.memory_space<hbm>> -> memref<128x128xf32, #tpu.memory_space<hbm>>
      tpu.wait_dma2 semaphore(%run_scoped3A : memref<!tpu.dma_semaphore, #tpu.memory_space<semaphore_mem>>) src(%arg10 : memref<128x128xf32, #tpu.memory_space<vmem>>) dst(%dma_wait3A_104 : memref<128x128xf32, #tpu.memory_space<hbm>>)
      tpu.yield
    }) : () -> ()
    return
  }
}

module attributes {stable_mosaic.version = 14 : i64} {
  func.func @_mlp_body(%arg0: i32, %arg1: memref<2048x128xf32, #tpu.memory_space<vmem>>, %arg2: memref<2048x128xf32, #tpu.memory_space<vmem>>, %arg3: memref<64x64xf32, #tpu.memory_space<vmem>>, %arg4: memref<1x64xf32, #tpu.memory_space<vmem>>, %arg5: memref<32x64xf32, #tpu.memory_space<vmem>>, %arg6: memref<1x32xf32, #tpu.memory_space<vmem>>, %arg7: memref<1x64xf32, #tpu.memory_space<vmem>>, %arg8: memref<1x1xf32, #tpu.memory_space<vmem>>, %arg9: memref<2048xf32, #tpu.memory_space<vmem>>, %arg10: memref<2048x32xf32, #tpu.memory_space<vmem>>, %arg11: memref<2048x32xf32, #tpu.memory_space<vmem>>, %arg12: memref<2048x32xf32, #tpu.memory_space<vmem>>, %arg13: memref<2048x32xf32, #tpu.memory_space<vmem>>) attributes {dimension_semantics = [#tpu.dimension_semantics<arbitrary>], iteration_bounds = array<i64: 8>, scalar_prefetch = 0 : i64, scratch_operands = 0 : i64, tpu.core_type = #tpu.core_type<tc>, window_params = [{transform_indices = @transform_0, window_bounds = array<i64: 2048, 128>}, {transform_indices = @transform_1, window_bounds = array<i64: 2048, 128>}, {pipeline_mode = #tpu.pipeline_mode<synchronous>, transform_indices = @transform_2, window_bounds = array<i64: 64, 64>}, {pipeline_mode = #tpu.pipeline_mode<synchronous>, transform_indices = @transform_3, window_bounds = array<i64: 1, 64>}, {pipeline_mode = #tpu.pipeline_mode<synchronous>, transform_indices = @transform_4, window_bounds = array<i64: 32, 64>}, {pipeline_mode = #tpu.pipeline_mode<synchronous>, transform_indices = @transform_5, window_bounds = array<i64: 1, 32>}, {pipeline_mode = #tpu.pipeline_mode<synchronous>, transform_indices = @transform_6, window_bounds = array<i64: 1, 64>}, {pipeline_mode = #tpu.pipeline_mode<synchronous>, transform_indices = @transform_7, window_bounds = array<i64: 1, 1>}, {transform_indices = @transform_8, window_bounds = array<i64: 2048>}, {transform_indices = @transform_9, window_bounds = array<i64: 2048, 32>}, {transform_indices = @transform_10, window_bounds = array<i64: 2048, 32>}, {transform_indices = @transform_11, window_bounds = array<i64: 2048, 32>}, {transform_indices = @transform_12, window_bounds = array<i64: 2048, 32>}]} {
    %get3A = arith.constant 0 : index
    %get3A_0 = arith.constant 0 : index
    %get3A_1 = vector.load %arg1[%get3A, %get3A_0] : memref<2048x128xf32, #tpu.memory_space<vmem>>, vector<2048x32xf32>
    %get3A_2 = arith.constant 0 : index
    %get3A_3 = arith.constant 32 : index
    %get3A_4 = vector.load %arg1[%get3A_2, %get3A_3] : memref<2048x128xf32, #tpu.memory_space<vmem>>, vector<2048x32xf32>
    %get3A_5 = arith.constant 0 : index
    %get3A_6 = arith.constant 64 : index
    %get3A_7 = vector.load %arg2[%get3A_5, %get3A_6] : memref<2048x128xf32, #tpu.memory_space<vmem>>, vector<2048x32xf32>
    %get3A_8 = arith.constant 0 : index
    %get3A_9 = arith.constant 96 : index
    %get3A_10 = vector.load %arg2[%get3A_8, %get3A_9] : memref<2048x128xf32, #tpu.memory_space<vmem>>, vector<2048x32xf32>
    %swap3A = arith.constant 0 : index
    %swap3A_11 = arith.constant 0 : index
    %swap3A_12 = vector.load %arg10[%swap3A, %swap3A_11] : memref<2048x32xf32, #tpu.memory_space<vmem>>, vector<2048x32xf32>
    tpu.vector_store %arg10[%swap3A, %swap3A_11], %get3A_1 {strides = array<i32>} : memref<2048x32xf32, #tpu.memory_space<vmem>>, vector<2048x32xf32>,
    %swap3A_13 = arith.constant 0 : index
    %swap3A_14 = arith.constant 0 : index
    %swap3A_15 = vector.load %arg11[%swap3A_13, %swap3A_14] : memref<2048x32xf32, #tpu.memory_space<vmem>>, vector<2048x32xf32>
    tpu.vector_store %arg11[%swap3A_13, %swap3A_14], %get3A_7 {strides = array<i32>} : memref<2048x32xf32, #tpu.memory_space<vmem>>, vector<2048x32xf32>,
    %swap3A_16 = arith.constant 0 : index
    %swap3A_17 = arith.constant 0 : index
    %swap3A_18 = vector.load %arg12[%swap3A_16, %swap3A_17] : memref<2048x32xf32, #tpu.memory_space<vmem>>, vector<2048x32xf32>
    tpu.vector_store %arg12[%swap3A_16, %swap3A_17], %get3A_4 {strides = array<i32>} : memref<2048x32xf32, #tpu.memory_space<vmem>>, vector<2048x32xf32>,
    %swap3A_19 = arith.constant 0 : index
    %swap3A_20 = arith.constant 0 : index
    %swap3A_21 = vector.load %arg13[%swap3A_19, %swap3A_20] : memref<2048x32xf32, #tpu.memory_space<vmem>>, vector<2048x32xf32>
    tpu.vector_store %arg13[%swap3A_19, %swap3A_20], %get3A_10 {strides = array<i32>} : memref<2048x32xf32, #tpu.memory_space<vmem>>, vector<2048x32xf32>,
    %mul3A = arith.mulf %get3A_1, %get3A_7 : vector<2048x32xf32>
    %concatenate3A = tpu.concatenate %get3A_4, %get3A_10 in 1 : vector<2048x32xf32>, vector<2048x32xf32> -> vector<2048x64xf32>
    %get3A_22 = arith.constant 0 : index
    %get3A_23 = arith.constant 0 : index
    %get3A_24 = vector.load %arg3[%get3A_22, %get3A_23] : memref<64x64xf32, #tpu.memory_space<vmem>>, vector<64x64xf32>
    %dot_general3A = arith.constant dense<0.000000e+00> : vector<2048x64xf32>
    %dot_general3A_25 = tpu.matmul %concatenate3A, %get3A_24, %dot_general3A {dimension_numbers = #tpu.dot_dimension_numbers<[1], [1], [0], [0], [0, 0, 1, 0], [], []>, transpose_lhs_hint = false} : vector<2048x64xf32>, vector<64x64xf32>, vector<2048x64xf32> -> vector<2048x64xf32>
    %get3A_26 = arith.constant 0 : index
    %get3A_27 = arith.constant 0 : index
    %get3A_28 = vector.load %arg4[%get3A_26, %get3A_27] : memref<1x64xf32, #tpu.memory_space<vmem>>, vector<1x64xf32>
    %add3A = vector.broadcast %get3A_28 : vector<1x64xf32> to vector<2048x64xf32>
    %add3A_29 = arith.addf %dot_general3A_25, %add3A : vector<2048x64xf32>
    %max3A = arith.constant 0.000000e+00 : f32
    %max3A_30 = vector.broadcast %max3A : f32 to vector<2048x64xf32>
    %max3A_31 = arith.maximumf %add3A_29, %max3A_30 : vector<2048x64xf32>
    %get3A_32 = arith.constant 0 : index
    %get3A_33 = arith.constant 0 : index
    %get3A_34 = vector.load %arg5[%get3A_32, %get3A_33] : memref<32x64xf32, #tpu.memory_space<vmem>>, vector<32x64xf32>
    %dot_general3A_35 = arith.constant dense<0.000000e+00> : vector<2048x32xf32>
    %dot_general3A_36 = tpu.matmul %max3A_31, %get3A_34, %dot_general3A_35 {dimension_numbers = #tpu.dot_dimension_numbers<[1], [1], [0], [0], [0, 0, 1, 0], [], []>, transpose_lhs_hint = false} : vector<2048x64xf32>, vector<32x64xf32>, vector<2048x32xf32> -> vector<2048x32xf32>
    %get3A_37 = arith.constant 0 : index
    %get3A_38 = arith.constant 0 : index
    %get3A_39 = vector.load %arg6[%get3A_37, %get3A_38] : memref<1x32xf32, #tpu.memory_space<vmem>>, vector<1x32xf32>
    %add3A_40 = vector.broadcast %get3A_39 : vector<1x32xf32> to vector<2048x32xf32>
    %add3A_41 = arith.addf %dot_general3A_36, %add3A_40 : vector<2048x32xf32>
    %max3A_42 = arith.constant 0.000000e+00 : f32
    %max3A_43 = vector.broadcast %max3A_42 : f32 to vector<2048x32xf32>
    %max3A_44 = arith.maximumf %add3A_41, %max3A_43 : vector<2048x32xf32>
    %concatenate3A_45 = tpu.concatenate %mul3A, %max3A_44 in 1 : vector<2048x32xf32>, vector<2048x32xf32> -> vector<2048x64xf32>
    %get3A_46 = arith.constant 0 : index
    %get3A_47 = arith.constant 0 : index
    %get3A_48 = vector.load %arg7[%get3A_46, %get3A_47] : memref<1x64xf32, #tpu.memory_space<vmem>>, vector<1x64xf32>
    %mul3A_49 = vector.broadcast %get3A_48 : vector<1x64xf32> to vector<2048x64xf32>
    %mul3A_50 = arith.mulf %concatenate3A_45, %mul3A_49 : vector<2048x64xf32>
    %reduce_sum3A = arith.constant dense<0.000000e+00> : vector<2048xf32>
    %reduce_sum3A_51 = vector.multi_reduction <add>, %mul3A_50, %reduce_sum3A [1] : vector<2048x64xf32> to vector<2048xf32>
    %get3A_52 = arith.constant 0 : index
    %get3A_53 = arith.constant 0 : index
    %get3A_54 = vector.load %arg8[%get3A_52, %get3A_53] : memref<1x1xf32, #tpu.memory_space<vmem>>, vector<1x1xf32>
    %get3A_55 = vector.extract %get3A_54[0, 0] : f32 from vector<1x1xf32>
    %add3A_56 = vector.broadcast %get3A_55 : f32 to vector<2048xf32>
    %add3A_57 = arith.addf %reduce_sum3A_51, %add3A_56 : vector<2048xf32>
    %logistic3A = arith.negf %add3A_57 : vector<2048xf32>
    %logistic3A_58 = math.exp %logistic3A : vector<2048xf32>
    %logistic3A_59 = arith.constant 1.000000e+00 : f32
    %logistic3A_60 = vector.broadcast %logistic3A_59 : f32 to vector<2048xf32>
    %logistic3A_61 = arith.addf %logistic3A_60, %logistic3A_58 : vector<2048xf32>
    %logistic3A_62 = arith.divf %logistic3A_60, %logistic3A_61 : vector<2048xf32>
    %swap3A_63 = arith.constant 0 : index
    %swap3A_64 = vector.load %arg9[%swap3A_63] : memref<2048xf32, #tpu.memory_space<vmem>>, vector<2048xf32>
    tpu.vector_store %arg9[%swap3A_63], %logistic3A_62 {strides = array<i32>} : memref<2048xf32, #tpu.memory_space<vmem>>, vector<2048xf32>,
    return
  }
  func.func @transform_0(%arg0: i32) -> (i32, i32) {
    %c0_i32 = arith.constant 0 : i32
    %c0_i32_0 = arith.constant 0 : i32
    return %arg0, %c0_i32 : i32, i32
  }
  func.func @transform_1(%arg0: i32) -> (i32, i32) {
    %c0_i32 = arith.constant 0 : i32
    %c0_i32_0 = arith.constant 0 : i32
    return %arg0, %c0_i32 : i32, i32
  }
  func.func @transform_2(%arg0: i32) -> (i32, i32) {
    %c0_i32 = arith.constant 0 : i32
    %c0_i32_0 = arith.constant 0 : i32
    %c0_i32_1 = arith.constant 0 : i32
    return %c0_i32, %c0_i32_0 : i32, i32
  }
  func.func @transform_3(%arg0: i32) -> (i32, i32) {
    %c0_i32 = arith.constant 0 : i32
    %c0_i32_0 = arith.constant 0 : i32
    %c0_i32_1 = arith.constant 0 : i32
    return %c0_i32, %c0_i32_0 : i32, i32
  }
  func.func @transform_4(%arg0: i32) -> (i32, i32) {
    %c0_i32 = arith.constant 0 : i32
    %c0_i32_0 = arith.constant 0 : i32
    %c0_i32_1 = arith.constant 0 : i32
    return %c0_i32, %c0_i32_0 : i32, i32
  }
  func.func @transform_5(%arg0: i32) -> (i32, i32) {
    %c0_i32 = arith.constant 0 : i32
    %c0_i32_0 = arith.constant 0 : i32
    %c0_i32_1 = arith.constant 0 : i32
    return %c0_i32, %c0_i32_0 : i32, i32
  }
  func.func @transform_6(%arg0: i32) -> (i32, i32) {
    %c0_i32 = arith.constant 0 : i32
    %c0_i32_0 = arith.constant 0 : i32
    %c0_i32_1 = arith.constant 0 : i32
    return %c0_i32, %c0_i32_0 : i32, i32
  }
  func.func @transform_7(%arg0: i32) -> (i32, i32) {
    %c0_i32 = arith.constant 0 : i32
    %c0_i32_0 = arith.constant 0 : i32
    %c0_i32_1 = arith.constant 0 : i32
    return %c0_i32, %c0_i32_0 : i32, i32
  }
  func.func @transform_8(%arg0: i32) -> i32 {
    %c0_i32 = arith.constant 0 : i32
    return %arg0 : i32
  }
  func.func @transform_9(%arg0: i32) -> (i32, i32) {
    %c0_i32 = arith.constant 0 : i32
    %c0_i32_0 = arith.constant 0 : i32
    return %arg0, %c0_i32 : i32, i32
  }
  func.func @transform_10(%arg0: i32) -> (i32, i32) {
    %c0_i32 = arith.constant 0 : i32
    %c0_i32_0 = arith.constant 0 : i32
    return %arg0, %c0_i32 : i32, i32
  }
  func.func @transform_11(%arg0: i32) -> (i32, i32) {
    %c0_i32 = arith.constant 0 : i32
    %c0_i32_0 = arith.constant 0 : i32
    return %arg0, %c0_i32 : i32, i32
  }
  func.func @transform_12(%arg0: i32) -> (i32, i32) {
    %c0_i32 = arith.constant 0 : i32
    %c0_i32_0 = arith.constant 0 : i32
    return %arg0, %c0_i32 : i32, i32
  }
}

</mosaic_0001>

<sc_bundles>
// kernel: kernel.4.cloned.1.call-start
scs
__scs_entry_jumppad:
0x0: {  	(pc) =	sbr.rel $0x88, $3  }
0x1: {  	(tag) =	ssettag $0x0;
	lr =	simm.s32 $0x1  }
0x2: {  	[smem:$0x3F95] =	sst lr;
	_ =	strace $0xD0000000  }
0x3: {  	_ = 	snop  }
0x4: {  	_ = 	snop  }
0x5: {  	_ = 	snop  }
0x6: {  	_ = 	snop  }
0x7: {  	_ = 	snop  }
__scs_overlays_trampoline_lowered:
0x8: {  	[smem:$0x3FA4] =	sst s0  }
0x9: {  	[smem:$0x3FA5] =	sst s1  }
0xa: {  	[smem:$0x3FA6] =	sst s2  }
0xb: {  	[smem:$0x3FA7] =	sst s3  }
0xc: {  	[smem:$0x3FA8] =	sst s4  }
0xd: {  	[smem:$0x3FA9] =	sst s5  }
0xe: {  	[smem:$0x3FAA] =	sst s6  }
0xf: {  	[smem:$0x3FAB] =	sst s7  }
0x10: {  	[smem:$0x3FAC] =	sst s8  }
0x11: {  	[smem:$0x3FAD] =	sst s9;
	s0 =	simm.s32 @!p0 $0x0  }
0x12: {  	s1 =	sld [smem:$0x3F93];
	s0 =	simm.s32 @p0 $0x1  }
0x13: {  	[smem:$0x3FAE] =	sst s0;
	s0 =	simm.s32 @!p1 $0x0  }
0x14: {  	s2 =	sld [smem:$0x3F92];
	s0 =	simm.s32 @p1 $0x1  }
0x15: {  	[smem:$0x3FAF] =	sst s0;
	s0 =	simm.s32 @!p2 $0x0  }
0x16: {  	s3 =	sld [smem:$0x3FDB];
	s0 =	simm.s32 @p2 $0x1  }
0x17: {  	s4 =	simm.s32 $0x1BF5;
	[smem:$0x3FB1] =	sst s0  }
0x18: {  	s0 =	sld [smem:$0x3F94];
	_ =	swait.ge [sflag:s4], $0x0  }
0x19: {  	s7 =	sld [smem:$0x3F95]  }
0x1a: {  	s8 =	sadd.s32 $0xFFFFE003, lr  }
0x1b: {  	s9 =	sadd.s32 $0xFFFFFEF7, lr;
	s5 =	simm.s32 $0xFFFFFFFF;
	p2 =	slt.u32 s8, $0xFFFFF086  }
0x1c: {  	p1 =	slt.u32 s9, $0xF7A;
	s5 =	simm.s32 @!p2 $0x0  }
0x1d: {  	s5 =	simm.s32 @p1 $0x1;
	p0 =	seq.s32 s7, s2  }
0x1e: {  	s7 =	smul.u32 @!p0 $0xF7A, s2;
	p2 =	seq.s32 @!p0 s5, $0x0  }
0x1f: {  	s9 =	smul.u32 $0xF7A, s1;
	s8 =	simm.s32 @!p0 $0x1BF5;
	p2 =	por !p2, p0  }
0x20: {  	[sflag:s8] =	ssyncset.s32 @!p0 $0xFFFFF086;
	s6 =	sadd.s32 @!p0 s3, s7;
	s7 =	simm.s32 @!p0 $0x108  }
0x21: {  	s3 =	sadd.s32 s3, s9;
	s6 =	sadd.s32 @!p0 $0x88, s6;
	s7 =	simm.s32 @p2 $0x1082  }
0x22: {  	[simem:s7], [sflag:s8] =	dma.local @!p0 [hbm:s6], $0xF7A  }
0x23: {  	s9 =	sor.u32 $0xD0000000, s2;
	s6 =	simm.s32 $0x108;
	_ =	swait.ge @!p0 [sflag:s8], $0x0  }
0x24: {  	s3 =	sadd.s32 $0x88, s3;
	s6 =	simm.s32 @!p1 $0x1082;
	[sflag:s4] =	ssyncset.s32 $0xFFFFF086  }
0x25: {  	[simem:s6], [sflag:s4] =	dma.local [hbm:s3], $0xF7A  }
0x26: {  	[smem:$0x3F95] =	sst s1;
	(tag) =	ssettag s2;
	_ =	strace s9  }
0x27: {  	s1 =	sld [smem:$0x3FA5]  }
0x28: {  	s2 =	sld [smem:$0x3FA6]  }
0x29: {  	s4 =	sld [smem:$0x3FA8]  }
0x2a: {  	p0 =	seq.s32 s5, $0x0;
	s5 =	sld [smem:$0x3FA9]  }
0x2b: {  	s6 =	sld [smem:$0x3FAA]  }
0x2c: {  	s7 =	sld [smem:$0x3FAB]  }
0x2d: {  	s3 =	simm.s32 $0x108;
	s8 =	sld [smem:$0x3FAC]  }
0x2e: {  	s3 =	simm.s32 @!p0 $0x1082;
	s9 =	sld [smem:$0x3FAD]  }
0x2f: {  	lr =	sadd.s32 s0, s3;
	s0 =	sld [smem:$0x3FA4]  }
0x30: {  	s3 =	sld [smem:$0x3FA7]  }
0x31: {  	[smem:$0x3FB0] =	sst s10  }
0x32: {  	s10 =	sld [smem:$0x3FAE];
	_ =	sdelay $0x3  }
0x33: {  	p0 =	seq.s32 s10, $0x1;
	s10 =	sld [smem:$0x3FB0];
	_ =	sdelay $0x3  }
0x34: {  	[smem:$0x3FB0] =	sst s10  }
0x35: {  	s10 =	sld [smem:$0x3FAF];
	_ =	sdelay $0x3  }
0x36: {  	p1 =	seq.s32 s10, $0x1;
	s10 =	sld [smem:$0x3FB0];
	_ =	sdelay $0x3  }
0x37: {  	[smem:$0x3FB0] =	sst s10  }
0x38: {  	s10 =	sld [smem:$0x3FB1]  }
0x39: {  	_ = 	snop;
	(pc) =	sbr.ind lr, $3  }
0x3a: {  	_ = 	snop  }
0x3b: {  	_ = 	snop  }
0x3c: {  	p2 =	seq.s32 s10, $0x1;
	s10 =	sld [smem:$0x3FB0]  }
0x3d: {  	_ =	shalt  }
0x3e: {  	_ =	shalt  }
0x3f: {  	_ =	shalt  }
0x40: {  	_ =	shalt  }
0x41: {  	_ =	shalt  }
0x42: {  	_ =	shalt  }
0x43: {  	_ =	shalt  }
0x44: {  	_ =	shalt  }
0x45: {  	_ =	shalt  }
0x46: {  	_ =	shalt  }
0x47: {  	_ =	shalt  }
0x48: {  	_ =	shalt  }
0x49: {  	_ =	shalt  }
0x4a: {  	_ =	shalt  }
0x4b: {  	_ =	shalt  }
0x4c: {  	_ =	shalt  }
0x4d: {  	_ =	shalt  }
0x4e: {  	_ =	shalt  }
0x4f: {  	_ =	shalt  }
0x50: {  	_ =	shalt  }
0x51: {  	_ =	shalt  }
0x52: {  	_ =	shalt  }
0x53: {  	_ =	shalt  }
0x54: {  	_ =	shalt  }
0x55: {  	_ =	shalt  }
0x56: {  	_ =	shalt  }
0x57: {  	_ =	shalt  }
0x58: {  	_ =	shalt  }
0x59: {  	_ =	shalt  }
0x5a: {  	_ =	shalt  }
0x5b: {  	_ =	shalt  }
0x5c: {  	_ =	shalt  }
0x5d: {  	_ =	shalt  }
0x5e: {  	_ =	shalt  }
0x5f: {  	_ =	shalt  }
0x60: {  	_ =	shalt  }
0x61: {  	_ =	shalt  }
0x62: {  	_ =	shalt  }
0x63: {  	_ =	shalt  }
0x64: {  	_ =	shalt  }
0x65: {  	_ =	shalt  }
0x66: {  	_ =	shalt  }
0x67: {  	_ =	shalt  }
0x68: {  	_ =	shalt  }
0x69: {  	_ =	shalt  }
0x6a: {  	_ =	shalt  }
0x6b: {  	_ =	shalt  }
0x6c: {  	_ =	shalt  }
0x6d: {  	_ =	shalt  }
0x6e: {  	_ =	shalt  }
0x6f: {  	_ =	shalt  }
0x70: {  	_ =	shalt  }
0x71: {  	_ =	shalt  }
0x72: {  	_ =	shalt  }
0x73: {  	_ =	shalt  }
0x74: {  	_ =	shalt  }
0x75: {  	_ =	shalt  }
0x76: {  	_ =	shalt  }
0x77: {  	_ =	shalt  }
0x78: {  	_ =	shalt  }
0x79: {  	_ =	shalt  }
0x7a: {  	_ =	shalt  }
0x7b: {  	_ =	shalt  }
0x7c: {  	_ =	shalt  }
0x7d: {  	_ =	shalt  }
0x7e: {  	_ =	shalt  }
0x7f: {  	_ =	shalt  }
0x80: {  	_ =	shalt  }
0x81: {  	_ =	shalt  }
0x82: {  	_ =	shalt  }
0x83: {  	_ =	shalt  }
0x84: {  	_ =	shalt  }
0x85: {  	_ =	shalt  }
0x86: {  	_ =	shalt  }
0x87: {  	_ =	shalt  }
.Lfunc_end0:
.L_simem_size_0:
called_computation_lowered:
.L_overlay_start_0:
0x88: {  	s2 =	sld [smem:$0x3FD9]  }
0x89: {  	s3 =	sld [smem:$0x3FFE];
	_ =	sdelay $0x1  }
0x8a: {  	s1 =	srdreg.scid  }
0x8b: {  	s0 =	sand.u32 $0x1, s1  }
0x8c: {  	s17 =	sshll.u32 s0, $0xA;
	s2 =	sadd.s32 s3, s2  }
0x8d: {  	s2 =	sadd.s32 s2, s17  }
0x8e: {  	[smem:$0x3FBC] =	sst s2  }
0x8f: {  	_ = 	snop  }
0x90: {  	s2 =	sld [smem:$0x3FC9]  }
0x91: {  	s18 =	sld [smem:$0x3FC8];
	(tm) =	ssettm $0x1  }
0x92: {  	s4 =	sld [smem:$0x3FFB];
	_ =	sdelay $0x3  }
0x93: {  	_ =	strace s4  }
0x94: {  	s4 =	sld [smem:$0x3FFC];
	_ =	sdelay $0x3  }
0x95: {  	_ =	strace s4  }
0x96: {  	s4 =	sld [smem:$0x3FFD];
	_ =	sdelay $0x3  }
0x97: {  	_ =	strace s4  }
0x98: {  	_ =	strace $0x8FFFFFFF  }
0x99: {  	s19 =	sld [smem:$0x3FDB];
	_ =	sdelay $0x1  }
0x9a: {  	s5 =	simm.s32 $_scs_section_size  }
0x9b: {  	s6 =	simm.s32 $_size__tile_overlayer_lowered;
	s7 =	simm.s32 $_tile_overlayer_lowered  }
0x9c: {  	s22 =	simm.s32 $0x1BFF;
	s21 =	sshll.u32 s7, $0x1;
	s4 =	sadd.s32 s5, s19  }
0x9d: {  	s8 =	simm.s32 $0x0;
	s20 =	sshll.u32 s6, $0x1;
	s6 =	sadd.s32 s21, s4  }
0x9e: {  	[timem:s8], [sflag:s22] =	dma.local [hbm:s6], s20  }
0x9f: {  	_ =	swait.ge [sflag:s22], s20  }
0xa0: {  	s5 =	ssub.s32 $0x0, s20;
	[sflag:s22] =	ssyncset.done $0x0  }
0xa1: {  	[sflag:s22] =	ssyncadd.s32 s5;
	_ =	sdelay $0x1  }
0xa2: {  	s23 =	simm.s32 $0x1B8B  }
0xa3: {  	_ =	swait.ge [sflag:s23], $0x1  }
0xa4: {  	[sflag:s23] =	ssyncset.done $0x0  }
0xa5: {  	s25 =	simm.s32 $0x1B8E;
	s24 =	sld [smem:$0x3FFE];
	[sflag:s23] =	ssyncadd.s32 $0xFFFFFFFF  }
0xa6: {  	s26 =	simm.s32 $execute0_lowered;
	[smem:$0x3FD2] =	sst s25  }
0xa7: {  	s6 =	sshll.u32 s26, $0x1;
	_ =	strace $0x80000046;
	[dreg:$0x1] =	wrdreg $0xFFFFFFFF  }
0xa8: {  	s28 =	simm.s32 $_size_execute0_lowered;
	s4 =	sadd.s32 s4, s6;
	[dreg:$0x0] =	wrdreg $0x0  }
0xa9: {  	s6 =	sshll.u32 s28, $0x1;
	[dreg:$0x2] =	wrdreg s4  }
0xaa: {  	[dreg:$0x3] =	wrdreg s6  }
0xab: {  	[dreg:$0x4] =	wrdreg $0xC0  }
0xac: {  	_ =	task [dreg:s8], $0x5FFFF  }
0xad: {  	[dreg:$0x1] =	wrdreg $0xFFFFFFFF  }
0xae: {  	[dreg:$0x0] =	wrdreg $0x60  }
0xaf: {  	[dreg:$0x2] =	wrdreg s2  }
0xb0: {  	[dreg:$0x3] =	wrdreg s18  }
0xb1: {  	[dreg:$0x4] =	wrdreg s24  }
0xb2: {  	[dreg:$0x5] =	wrdreg $0x9  }
0xb3: {  	_ =	task.clear_ibuf [dreg:s8], $0x6FFFF;
	_ =	strace $0x90000046  }
0xb4: {  	s29 =	simm.s32 $0x9;
	_ =	strace $0x80000048  }
0xb5: {  	_ =	swait.ge [sflag:s29], $0x1  }
0xb6: {  	[sflag:s29] =	ssyncadd.s32 $0xFFFFFFFF  }
0xb7: {  	_ =	strace $0x90000048  }
0xb8: {  	_ =	sfence  }
0xb9: {  	s30 =	sld [smem:$0x0];
	_ =	sdelay $0x2  }
0xba: {  	s31 =	sshll.u32 s1, $0xD;
	s1 =	sshrl.u32 s1, $0x2  }
0xbb: {  	s3 =	sand.u32 $0x4000, s31;
	s1 =	sadd.s32 s1, s30  }
0xbc: {  	s0 =	sor.u32 s3, s0;
	s1 =	sshll.u32 s1, $0x11  }
0xbd: {  	s0 =	sor.u32 s1, s0  }
0xbe: {  	s0 =	sadd.s32 $0x8F2B, s0  }
0xbf: {  	[sflag:s0] =	ssyncadd.remote.s32 $0x1  }
0xc0: {  	_ =	sfence.sel $0xFFFF  }
0xc1: {  	[dreg:$0x0] =	wrdreg $0xFFFFFFFF;
	(pc) =	sbr.abs _section_cstart, $3  }
0xc2: {  	[dreg:$0x1] =	wrdreg $0xFFFFFFFF  }
0xc3: {  	_ =	task.clear_ibuf [dreg:s8], $0x2FFFF;
	_ =	strace $0x9FFFFFFF  }
0xc4: {  	(tm) =	ssettm $0x7FFFFFFF  }
0xc5: {  	_ =	shalt  }
tec
execute0_lowered:
.L_overlay_start_1:
0x0: {  	(tag) =	ssettag $0x1  }
0x1: {  	s3 =	rddreg [dreg:$0x0];
	s1 =	srdreg.scid  }
0x2: {  	s5 =	rddreg [dreg:$0x1];
	s0 =	stileid.u32;
	s25 =	sand.u32 $0x1, s1  }
0x3: {  	s14 =	rddreg [dreg:$0x2];
	s4 =	sshll.u32 s0, $0xA;
	s6 =	sshll.u32 s25, $0x9  }
0x4: {  	s2 =	simm.s32 $0x0;
	s1 =	rddreg [dreg:$0x3];
	s12 =	sor.u32 s6, s4  }
0x5: {  	[smem:$0x7FF] =	sst s2;
	s6 =	sshrl.u32 s12, $0x3  }
0x6: {  	_ =	strace $0x80000047;
	s4 =	sadd.s32 s3, s6;
	s3 =	simm.s32 $0x3  }
0x7: {  	[tilespmem:s2], [sflag:$0x3] =	stream.linear.gather [hbm4b:s4+s2], $0x200, $0x38;
	[tilespmem:$0x8400] =	vst v63  }
0x8: {  	_ =	swait.ge [sflag:s3], $0x200  }
0x9: {  	[sflag:s3] =	ssyncset.done $0x0  }
0xa: {  	s5 =	sadd.s32 s5, s6;
	s6 =	simm.s32 $0x200;
	[sflag:s3] =	ssyncadd.s32 $0xFFFFFE00  }
0xb: {  	[tilespmem:s6], [sflag:$0x3] =	stream.linear.gather [hbm4b:s5+s2], $0x200, $0x38;
	[tilespmem:$0x8400] =	vst v63  }
0xc: {  	_ =	swait.ge [sflag:s3], $0x200  }
0xd: {  	s8 =	simm.s32 $0x80;
	[sflag:s3] =	ssyncset.done $0x0  }
0xe: {  	s9 =	simm.s32 $0x400;
	s7 =	sadd.s32 $0x3D0B000, s14;
	[sflag:s3] =	ssyncadd.s32 $0xFFFFFE00  }
0xf: {  	[tilespmem:s9], [sflag:$0x1] =	stream.indirect.gather [hbm4b:s7+s8], $0x80, s2, s8, $0xb8;
	[tilespmem:$0x8400] =	vst v63  }
0x10: {  	s10 =	simm.s32 $0x4400;
	s11 =	simm.s32 $0x1  }
0x11: {  	[tilespmem:s10], [sflag:$0x2] =	stream.indirect.gather [hbm4b:s7+s8], $0x80, s6, s8, $0xb8;
	[tilespmem:$0x8400] =	vst v63  }
0x12: {  	_ =	swait.ge [sflag:s11], $0x4000  }
0x13: {  	s24 =	sadd.s32 $0x2000, s14;
	s28 =	sshll.u32 s12, $0x4;
	[sflag:s11] =	ssyncset.done $0x0  }
0x14: {  	s12 =	sadd.s32 s24, s28;
	[sflag:s11] =	ssyncadd.s32 $0xFFFFC000  }
0x15: {  	[hbm4b:s12+s2] =	stream.linear.scatter [tilespmem:s9], [sflag:$0x3], $0x4000, $0x38;
	[tilespmem:$0x8400] =	vst v63  }
0x16: {  	_ =	swait.ge [sflag:s3], $0x4000  }
0x17: {  	[sflag:s3] =	ssyncset.done $0x0  }
0x18: {  	s13 =	simm.s32 $0x2;
	[sflag:s3] =	ssyncadd.s32 $0xFFFFC000  }
0x19: {  	_ =	swait.ge [sflag:s13], $0x4000  }
0x1a: {  	s26 =	sadd.s32 $0x42000, s14;
	[sflag:s13] =	ssyncset.done $0x0  }
0x1b: {  	s14 =	sadd.s32 s26, s28;
	[sflag:s13] =	ssyncadd.s32 $0xFFFFC000  }
0x1c: {  	[hbm4b:s14+s2] =	stream.linear.scatter [tilespmem:s10], [sflag:$0x3], $0x4000, $0x38;
	[tilespmem:$0x8400] =	vst v63  }
0x1d: {  	_ =	swait.ge [sflag:s3], $0x4000  }
0x1e: {  	[sflag:s3] =	ssyncset.done $0x0  }
0x1f: {  	[sflag:s3] =	ssyncadd.s32 $0xFFFFC000  }
0x20: {  	[tilespmem:s9], [sflag:$0x1] =	stream.indirect.gather [hbm4b:s7+s8], $0x80, s8, s8, $0xb8;
	[tilespmem:$0x8400] =	vst v63  }
0x21: {  	s15 =	simm.s32 $0x280  }
0x22: {  	[tilespmem:s10], [sflag:$0x2] =	stream.indirect.gather [hbm4b:s7+s8], $0x80, s15, s8, $0xb8;
	[tilespmem:$0x8400] =	vst v63  }
0x23: {  	_ =	swait.ge [sflag:s11], $0x4000  }
0x24: {  	s17 =	sor.u32 $0x800, s28;
	[sflag:s11] =	ssyncset.done $0x0  }
0x25: {  	s16 =	sadd.s32 s24, s17;
	[sflag:s11] =	ssyncadd.s32 $0xFFFFC000  }
0x26: {  	[hbm4b:s16+s2] =	stream.linear.scatter [tilespmem:s9], [sflag:$0x3], $0x4000, $0x38;
	[tilespmem:$0x8400] =	vst v63  }
0x27: {  	_ =	swait.ge [sflag:s3], $0x4000  }
0x28: {  	[sflag:s3] =	ssyncset.done $0x0  }
0x29: {  	[sflag:s3] =	ssyncadd.s32 $0xFFFFC000  }
0x2a: {  	_ =	swait.ge [sflag:s13], $0x4000  }
0x2b: {  	[sflag:s13] =	ssyncset.done $0x0  }
0x2c: {  	s17 =	sadd.s32 s26, s17;
	[sflag:s13] =	ssyncadd.s32 $0xFFFFC000  }
0x2d: {  	[hbm4b:s17+s2] =	stream.linear.scatter [tilespmem:s10], [sflag:$0x3], $0x4000, $0x38;
	[tilespmem:$0x8400] =	vst v63  }
0x2e: {  	_ =	swait.ge [sflag:s3], $0x4000  }
0x2f: {  	[sflag:s3] =	ssyncset.done $0x0  }
0x30: {  	s18 =	simm.s32 $0x100;
	[sflag:s3] =	ssyncadd.s32 $0xFFFFC000  }
0x31: {  	[tilespmem:s9], [sflag:$0x1] =	stream.indirect.gather [hbm4b:s7+s8], $0x80, s18, s8, $0xb8;
	[tilespmem:$0x8400] =	vst v63  }
0x32: {  	s19 =	simm.s32 $0x300  }
0x33: {  	[tilespmem:s10], [sflag:$0x2] =	stream.indirect.gather [hbm4b:s7+s8], $0x80, s19, s8, $0xb8;
	[tilespmem:$0x8400] =	vst v63  }
0x34: {  	_ =	swait.ge [sflag:s11], $0x4000  }
0x35: {  	s21 =	sor.u32 $0x1000, s28;
	[sflag:s11] =	ssyncset.done $0x0  }
0x36: {  	s20 =	sadd.s32 s24, s21;
	[sflag:s11] =	ssyncadd.s32 $0xFFFFC000  }
0x37: {  	[hbm4b:s20+s2] =	stream.linear.scatter [tilespmem:s9], [sflag:$0x3], $0x4000, $0x38;
	[tilespmem:$0x8400] =	vst v63  }
0x38: {  	_ =	swait.ge [sflag:s3], $0x4000  }
0x39: {  	[sflag:s3] =	ssyncset.done $0x0  }
0x3a: {  	[sflag:s3] =	ssyncadd.s32 $0xFFFFC000  }
0x3b: {  	_ =	swait.ge [sflag:s13], $0x4000  }
0x3c: {  	[sflag:s13] =	ssyncset.done $0x0  }
0x3d: {  	s21 =	sadd.s32 s26, s21;
	[sflag:s13] =	ssyncadd.s32 $0xFFFFC000  }
0x3e: {  	[hbm4b:s21+s2] =	stream.linear.scatter [tilespmem:s10], [sflag:$0x3], $0x4000, $0x38;
	[tilespmem:$0x8400] =	vst v63  }
0x3f: {  	_ =	swait.ge [sflag:s3], $0x4000  }
0x40: {  	[sflag:s3] =	ssyncset.done $0x0  }
0x41: {  	s22 =	simm.s32 $0x180;
	[sflag:s3] =	ssyncadd.s32 $0xFFFFC000  }
0x42: {  	[tilespmem:s9], [sflag:$0x1] =	stream.indirect.gather [hbm4b:s7+s8], $0x80, s22, s8, $0xb8;
	[tilespmem:$0x8400] =	vst v63  }
0x43: {  	s23 =	simm.s32 $0x380  }
0x44: {  	[tilespmem:s10], [sflag:$0x2] =	stream.indirect.gather [hbm4b:s7+s8], $0x80, s23, s8, $0xb8;
	[tilespmem:$0x8400] =	vst v63  }
0x45: {  	_ =	swait.ge [sflag:s11], $0x4000  }
0x46: {  	s28 =	sor.u32 $0x1800, s28;
	[sflag:s11] =	ssyncset.done $0x0  }
0x47: {  	s25 =	ssub.s32 $0x2, s25;
	s24 =	sadd.s32 s24, s28;
	[sflag:s11] =	ssyncadd.s32 $0xFFFFC000  }
0x48: {  	[hbm4b:s24+s2] =	stream.linear.scatter [tilespmem:s9], [sflag:$0x3], $0x4000, $0x38;
	[tilespmem:$0x8400] =	vst v63  }
0x49: {  	s29 =	sshrl.u32 s25, $0x1;
	_ =	swait.ge [sflag:s3], $0x4000  }
0x4a: {  	s29 =	ssub.s32 s25, s29;
	[sflag:s3] =	ssyncset.done $0x0  }
0x4b: {  	s31 =	smax.u32 s29, $0x1;
	[sflag:s3] =	ssyncadd.s32 $0xFFFFC000  }
0x4c: {  	p0 =	sne.s32 s31, $0x1;
	_ =	swait.ge [sflag:s13], $0x4000  }
.Ltmp0:
0x4d: {  	[sflag:s13] =	ssyncset.done $0x0;
	(pc) =	sbr.rel @!p0 .LBB2_2-.Ltmp0, $4  }
0x4e: {  	s25 =	sadd.s32 s26, s28;
	[sflag:s13] =	ssyncadd.s32 $0xFFFFC000  }
0x4f: {  	[hbm4b:s25+s2] =	stream.linear.scatter [tilespmem:s10], [sflag:$0x3], $0x4000, $0x38;
	[tilespmem:$0x8400] =	vst v63  }
0x50: {  	_ =	swait.ge [sflag:s3], $0x4000  }
0x51: {  	s26 =	sadd.s32 $0xFFFFFFFF, s31;
	[sflag:s3] =	ssyncset.done $0x0  }
.LBB2_1:
0x52: {  	p0 =	sne.s32 s26, $0x1;
	s26 =	sadd.s32 $0xFFFFFFFF, s26;
	[sflag:s3] =	ssyncadd.s32 $0xFFFFC000  }
0x53: {  	[tilespmem:s2], [sflag:$0x3] =	stream.linear.gather [hbm4b:s4+s2], $0x200, $0x38;
	[tilespmem:$0x8400] =	vst v63  }
0x54: {  	_ =	swait.ge [sflag:s3], $0x200  }
0x55: {  	[sflag:s3] =	ssyncset.done $0x0  }
0x56: {  	[sflag:s3] =	ssyncadd.s32 $0xFFFFFE00  }
0x57: {  	[tilespmem:s6], [sflag:$0x3] =	stream.linear.gather [hbm4b:s5+s2], $0x200, $0x38;
	[tilespmem:$0x8400] =	vst v63  }
0x58: {  	_ =	swait.ge [sflag:s3], $0x200  }
0x59: {  	[sflag:s3] =	ssyncset.done $0x0  }
0x5a: {  	[sflag:s3] =	ssyncadd.s32 $0xFFFFFE00  }
0x5b: {  	[tilespmem:s9], [sflag:$0x1] =	stream.indirect.gather [hbm4b:s7+s8], $0x80, s2, s8, $0xb8;
	[tilespmem:$0x8400] =	vst v63  }
0x5c: {  	_ = 	snop  }
0x5d: {  	[tilespmem:s10], [sflag:$0x2] =	stream.indirect.gather [hbm4b:s7+s8], $0x80, s6, s8, $0xb8;
	[tilespmem:$0x8400] =	vst v63  }
0x5e: {  	_ =	swait.ge [sflag:s11], $0x4000  }
0x5f: {  	[sflag:s11] =	ssyncset.done $0x0  }
0x60: {  	[sflag:s11] =	ssyncadd.s32 $0xFFFFC000  }
0x61: {  	[hbm4b:s12+s2] =	stream.linear.scatter [tilespmem:s9], [sflag:$0x3], $0x4000, $0x38;
	[tilespmem:$0x8400] =	vst v63  }
0x62: {  	_ =	swait.ge [sflag:s3], $0x4000  }
0x63: {  	[sflag:s3] =	ssyncset.done $0x0  }
0x64: {  	[sflag:s3] =	ssyncadd.s32 $0xFFFFC000  }
0x65: {  	_ =	swait.ge [sflag:s13], $0x4000  }
0x66: {  	[sflag:s13] =	ssyncset.done $0x0  }
0x67: {  	[sflag:s13] =	ssyncadd.s32 $0xFFFFC000  }
0x68: {  	[hbm4b:s14+s2] =	stream.linear.scatter [tilespmem:s10], [sflag:$0x3], $0x4000, $0x38;
	[tilespmem:$0x8400] =	vst v63  }
0x69: {  	_ =	swait.ge [sflag:s3], $0x4000  }
0x6a: {  	[sflag:s3] =	ssyncset.done $0x0  }
0x6b: {  	[sflag:s3] =	ssyncadd.s32 $0xFFFFC000  }
0x6c: {  	[tilespmem:s9], [sflag:$0x1] =	stream.indirect.gather [hbm4b:s7+s8], $0x80, s8, s8, $0xb8;
	[tilespmem:$0x8400] =	vst v63  }
0x6d: {  	_ = 	snop  }
0x6e: {  	[tilespmem:s10], [sflag:$0x2] =	stream.indirect.gather [hbm4b:s7+s8], $0x80, s15, s8, $0xb8;
	[tilespmem:$0x8400] =	vst v63  }
0x6f: {  	_ =	swait.ge [sflag:s11], $0x4000  }
0x70: {  	[sflag:s11] =	ssyncset.done $0x0  }
0x71: {  	[sflag:s11] =	ssyncadd.s32 $0xFFFFC000  }
0x72: {  	[hbm4b:s16+s2] =	stream.linear.scatter [tilespmem:s9], [sflag:$0x3], $0x4000, $0x38;
	[tilespmem:$0x8400] =	vst v63  }
0x73: {  	_ =	swait.ge [sflag:s3], $0x4000  }
0x74: {  	[sflag:s3] =	ssyncset.done $0x0  }
0x75: {  	[sflag:s3] =	ssyncadd.s32 $0xFFFFC000  }
0x76: {  	_ =	swait.ge [sflag:s13], $0x4000  }
0x77: {  	[sflag:s13] =	ssyncset.done $0x0  }
0x78: {  	[sflag:s13] =	ssyncadd.s32 $0xFFFFC000  }
0x79: {  	[hbm4b:s17+s2] =	stream.linear.scatter [tilespmem:s10], [sflag:$0x3], $0x4000, $0x38;
	[tilespmem:$0x8400] =	vst v63  }
0x7a: {  	_ =	swait.ge [sflag:s3], $0x4000  }
0x7b: {  	[sflag:s3] =	ssyncset.done $0x0  }
0x7c: {  	[sflag:s3] =	ssyncadd.s32 $0xFFFFC000  }
0x7d: {  	[tilespmem:s9], [sflag:$0x1] =	stream.indirect.gather [hbm4b:s7+s8], $0x80, s18, s8, $0xb8;
	[tilespmem:$0x8400] =	vst v63  }
0x7e: {  	_ = 	snop  }
0x7f: {  	[tilespmem:s10], [sflag:$0x2] =	stream.indirect.gather [hbm4b:s7+s8], $0x80, s19, s8, $0xb8;
	[tilespmem:$0x8400] =	vst v63  }
0x80: {  	_ =	swait.ge [sflag:s11], $0x4000  }
0x81: {  	[sflag:s11] =	ssyncset.done $0x0  }
0x82: {  	[sflag:s11] =	ssyncadd.s32 $0xFFFFC000  }
0x83: {  	[hbm4b:s20+s2] =	stream.linear.scatter [tilespmem:s9], [sflag:$0x3], $0x4000, $0x38;
	[tilespmem:$0x8400] =	vst v63  }
0x84: {  	_ =	swait.ge [sflag:s3], $0x4000  }
0x85: {  	[sflag:s3] =	ssyncset.done $0x0  }
0x86: {  	[sflag:s3] =	ssyncadd.s32 $0xFFFFC000  }
0x87: {  	_ =	swait.ge [sflag:s13], $0x4000  }
0x88: {  	[sflag:s13] =	ssyncset.done $0x0  }
0x89: {  	[sflag:s13] =	ssyncadd.s32 $0xFFFFC000  }
0x8a: {  	[hbm4b:s21+s2] =	stream.linear.scatter [tilespmem:s10], [sflag:$0x3], $0x4000, $0x38;
	[tilespmem:$0x8400] =	vst v63  }
0x8b: {  	_ =	swait.ge [sflag:s3], $0x4000  }
0x8c: {  	[sflag:s3] =	ssyncset.done $0x0  }
0x8d: {  	[sflag:s3] =	ssyncadd.s32 $0xFFFFC000  }
0x8e: {  	[tilespmem:s9], [sflag:$0x1] =	stream.indirect.gather [hbm4b:s7+s8], $0x80, s22, s8, $0xb8;
	[tilespmem:$0x8400] =	vst v63  }
0x8f: {  	_ = 	snop  }
0x90: {  	[tilespmem:s10], [sflag:$0x2] =	stream.indirect.gather [hbm4b:s7+s8], $0x80, s23, s8, $0xb8;
	[tilespmem:$0x8400] =	vst v63  }
0x91: {  	_ =	swait.ge [sflag:s11], $0x4000  }
0x92: {  	[sflag:s11] =	ssyncset.done $0x0  }
0x93: {  	[sflag:s11] =	ssyncadd.s32 $0xFFFFC000  }
0x94: {  	[hbm4b:s24+s2] =	stream.linear.scatter [tilespmem:s9], [sflag:$0x3], $0x4000, $0x38;
	[tilespmem:$0x8400] =	vst v63  }
0x95: {  	_ =	swait.ge [sflag:s3], $0x4000  }
0x96: {  	[sflag:s3] =	ssyncset.done $0x0  }
0x97: {  	[sflag:s3] =	ssyncadd.s32 $0xFFFFC000  }
0x98: {  	_ =	swait.ge [sflag:s13], $0x4000  }
.Ltmp1:
0x99: {  	[sflag:s13] =	ssyncset.done $0x0;
	(pc) =	sbr.rel @p0 .LBB2_1-.Ltmp1, $4  }
0x9a: {  	[sflag:s13] =	ssyncadd.s32 $0xFFFFC000  }
0x9b: {  	[hbm4b:s25+s2] =	stream.linear.scatter [tilespmem:s10], [sflag:$0x3], $0x4000, $0x38;
	[tilespmem:$0x8400] =	vst v63  }
0x9c: {  	_ =	swait.ge [sflag:s3], $0x4000  }
0x9d: {  	[sflag:s3] =	ssyncset.done $0x0  }
.LBB2_2:
0x9e: {  	[sflag:s3] =	ssyncadd.s32 $0xFFFFC000  }
0x9f: {  	_ =	sfence.sel $0x180000  }
0xa0: {  	[bflag:$0x0] =	sbarrier.arrive $0xFFFF  }
0xa1: {  	p0 =	sne.s32 s0, $0x0;
	_ =	strace $0x90000047  }
0xa2: {  	s0 =	sadd.s32 @!p0 $0x100000, s1;
	[bflag:$0x2] =	sbarrier.arrive $0xFFFF  }
0xa3: {  	[sflag:s0] =	ssyncadd.tile.s32 @!p0 $0x1;
	_ =	shalt  }
.Lfunc_end2:
_tile_overlayer_lowered:
.L_overlay_start_2:
0xa4: {  	(tag) =	ssettag $0x2  }
0xa5: {  	s0 =	rddreg [dreg:$0x0];
	s2 =	stileid.u32  }
0xa6: {  	s1 =	rddreg [dreg:$0x1];
	p0 =	sne.s32 s2, $0x0  }
0xa7: {  	s3 =	rddreg [dreg:$0x2];
	[bflag:$0x3] =	sbarrier.arrive $0xFFFF;
	s2 =	simm.s32 @!p0 $0x1C03  }
0xa8: {  	[timem:s3], [sflag:s2] =	dma.local @!p0 [hbm:s0], s1  }
0xa9: {  	s0 =	simm.s32 @!p0 $0x3  }
0xaa: {  	_ =	swait.ge @!p0 [sflag:s0], s1  }
0xab: {  	s1 =	ssub.s32 @!p0 $0x0, s1;
	[sflag:s0] =	ssyncset.done @!p0 $0x0  }
0xac: {  	[sflag:s0] =	ssyncadd.s32 @!p0 s1  }
0xad: {  	[bflag:$0x3] =	sbarrier.arrive $0xFFFF  }
0xae: {  	_ =	shalt  }

</sc_bundles>
